<compile_context>
chip_gen: v7x
topology: tpu7x:2x2x1
jax: 0.10.2.dev20260603
libtpu: 0.0.44.dev20260713+nightly
codegen_flags: <defaults>
</compile_context>

<pallas_src>
import functools

import jax
import jax.numpy as jnp
from jax import lax
from jax.experimental import pallas as pl
from jax.experimental.pallas import tpu as pltpu
from jax.experimental.pallas import tpu_sc as plsc

NUM_WORKERS = 32
LANES = 16


def _gather_call(n, d, chunk_rows, nbuf):
    rows_per_w = n // NUM_WORKERS
    num_chunks = rows_per_w // chunk_rows
    assert num_chunks % nbuf == 0 and num_chunks >= 2 * nbuf
    mesh = plsc.VectorSubcoreMesh(core_axis_name="c", subcore_axis_name="s")

    @functools.partial(
        pl.kernel,
        out_type=jax.ShapeDtypeStruct((1, n, d), jnp.float32),
        mesh=mesh,
        scratch_types=[
            pltpu.VMEM((LANES,), jnp.int32),
            pltpu.VMEM((nbuf, chunk_rows), jnp.int32),
            pltpu.VMEM((nbuf, chunk_rows, d), jnp.float32),
            [pltpu.SemaphoreType.DMA] * nbuf,
            [pltpu.SemaphoreType.DMA] * nbuf,
        ],
    )
    def k(table_hbm, maxidx_hbm, out3_hbm, maxidx_v, idx_v, rows_v, gsems,
          wsems):
        out_hbm = out3_hbm.at[0]
        wid = lax.axis_index("s") * 2 + lax.axis_index("c")
        base = wid * rows_per_w
        pltpu.sync_copy(maxidx_hbm, maxidx_v)
        maxidx = maxidx_v[...]

        def start_gather(b, c):
            chunk_start = base + c * chunk_rows
            for j in range(chunk_rows // LANES):
                ramp = lax.iota(jnp.int32, LANES) + (chunk_start + j * LANES)
                idx_v[b, pl.ds(j * LANES, LANES)] = jnp.minimum(ramp, maxidx)
            pltpu.async_copy(table_hbm.at[idx_v.at[b]], rows_v.at[b],
                             gsems[b])

        def wait_gather(b):
            pltpu.make_async_copy(table_hbm.at[idx_v.at[b]], rows_v.at[b],
                                  gsems[b]).wait()

        def start_write(b, c):
            pltpu.async_copy(
                rows_v.at[b],
                out_hbm.at[pl.ds(base + c * chunk_rows, chunk_rows)],
                wsems[b])

        def wait_write(b):
            pltpu.make_async_copy(
                rows_v.at[b], out_hbm.at[pl.ds(base, chunk_rows)],
                wsems[b]).wait()

        for b in range(nbuf):
            start_gather(b, b)

        def step(g, _):
            for b in range(nbuf):
                c = g * nbuf + b
                wait_gather(b)
                start_write(b, c)
                wait_write(b)

                @pl.when(c + nbuf < num_chunks)
                def _refill(b=b, c=c):
                    start_gather(b, c + nbuf)

            return _

        lax.fori_loop(0, num_chunks // nbuf, step, None)

    return k


def kernel(pos_embed, num_queries):
    n, d = pos_embed.shape
    maxidx = jnp.full((LANES,), num_queries, jnp.int32) - 1
    return _gather_call(n, d, chunk_rows=32, nbuf=2)(pos_embed, maxidx)

# --- scband reference (transcript-rebuilt; emitter-appended) ---
"""Pipeline reference for scband-positional-encoding-learned-70205535420553 (READ-ONLY COPY).

The authoritative reference and input builder live on the scoring server;
editing this copy changes nothing except your own understanding.
"""

import jax, jax.numpy as jnp
import numpy as np

NUM_POS = 8192
D_MODEL = 1024


def setup_inputs(seed: int = 0) -> dict:
    key = jax.random.key(seed)
    k_w, = jax.random.split(key, 1)
    pos_embed = jax.random.normal(k_w, (NUM_POS, D_MODEL), dtype=jnp.float32)
    num_queries = 8192  # python int scalar forward arg
    return {"pos_embed": pos_embed, "num_queries": num_queries}


def reference(pos_embed, num_queries):
    # positions = torch.arange(num_queries)
    positions = jnp.arange(pos_embed.shape[0])
    positions = jnp.minimum(positions, num_queries - 1)
    # self.pos_embed(positions).unsqueeze(0)
    out = jnp.take(pos_embed, positions, axis=0)
    return out[None, :, :]

if __name__ == "__main__":
    import jax
    _d = setup_inputs()
    print(jax.jit(kernel)(*tuple(_d.values())))

</pallas_src>

<mosaic_0001>
#map = affine_map<(d0, d1) -> (0, 0)>
#map1 = affine_map<(d0, d1) -> (0)>
#map2 = affine_map<(d0, d1) -> (0, 0, 0)>
module attributes {stable_mosaic.version = 14 : i64} {
  func.func @k(%arg0: i32, %arg1: i32, %arg2: memref<8192x1024xf32, #tpu.memory_space<hbm>>, %arg3: memref<16xi32, #tpu.memory_space<hbm>>, %arg4: memref<1x8192x1024xf32, #tpu.memory_space<hbm>>, %arg5: memref<16xi32, #tpu.memory_space<vmem>>, %arg6: memref<2x32xi32, #tpu.memory_space<vmem>>, %arg7: memref<2x32x1024xf32, #tpu.memory_space<vmem>>, %arg8: memref<!tpu.dma_semaphore, #tpu.memory_space<semaphore_mem>>, %arg9: memref<!tpu.dma_semaphore, #tpu.memory_space<semaphore_mem>>, %arg10: memref<!tpu.dma_semaphore, #tpu.memory_space<semaphore_mem>>, %arg11: memref<!tpu.dma_semaphore, #tpu.memory_space<semaphore_mem>>) attributes {dimension_semantics = [#tpu.dimension_semantics<core_parallel>, #tpu.dimension_semantics<subcore_parallel>], iteration_bounds = array<i64: 2, 16>, scalar_prefetch = 0 : i64, scratch_operands = 7 : i64, tpu.core_type = #tpu.core_type<sc_vector_subcore>, window_params = [{transform_indices = #map}, {transform_indices = #map1}, {transform_indices = #map2}]} {
    %mul3A = arith.constant 2 : i32
    %mul3A_0 = arith.muli %arg1, %mul3A : i32
    %add3A = arith.addi %mul3A_0, %arg0 : i32
    %mul3A_1 = arith.constant 256 : i32
    %mul3A_2 = arith.muli %add3A, %mul3A_1 : i32
    "tpu.region"() ({
      %run_scoped3A = tpu.sem_alloc : memref<!tpu.dma_semaphore, #tpu.memory_space<semaphore_mem>>
      tpu.enqueue_dma source(%arg3 : memref<16xi32, #tpu.memory_space<hbm>>) target(%arg5 : memref<16xi32, #tpu.memory_space<vmem>>) target_semaphore(%run_scoped3A : memref<!tpu.dma_semaphore, #tpu.memory_space<semaphore_mem>>)
      tpu.wait_dma2 semaphore(%run_scoped3A : memref<!tpu.dma_semaphore, #tpu.memory_space<semaphore_mem>>) src(%arg3 : memref<16xi32, #tpu.memory_space<hbm>>) dst(%arg5 : memref<16xi32, #tpu.memory_space<vmem>>)
      tpu.yield
    }) : () -> ()
    %get3A = arith.constant 0 : index
    %get3A_3 = tpu.vector_load %arg5[%get3A] {strides = array<i32>} : memref<16xi32, #tpu.memory_space<vmem>>, vector<16xi32>,
    %get3A_4 = vector.shape_cast %get3A_3 : vector<16xi32> to vector<16xi32>
    %add3A_5 = arith.constant 0 : i32
    %add3A_6 = arith.addi %mul3A_2, %add3A_5 : i32
    %iota3A = tpu.iota {dimensions = array<i32: 0>} : vector<16xi32>
    %add3A_7 = arith.constant 0 : i32
    %add3A_8 = arith.addi %add3A_6, %add3A_7 : i32
    %add3A_9 = vector.broadcast %add3A_8 : i32 to vector<16xi32>
    %add3A_10 = arith.addi %iota3A, %add3A_9 : vector<16xi32>
    %min3A = arith.minsi %add3A_10, %get3A_4 : vector<16xi32>
    %swap3A = arith.constant 0 : i32
    %swap3A_11 = arith.index_cast %swap3A : i32 to index
    %swap3A_12 = arith.constant 0 : index
    %swap3A_13 = tpu.vector_load %arg6[%swap3A_11, %swap3A_12] {strides = array<i32>} : memref<2x32xi32, #tpu.memory_space<vmem>>, vector<1x16xi32>,
    %swap3A_14 = vector.shape_cast %swap3A_13 : vector<1x16xi32> to vector<16xi32>
    %swap3A_15 = vector.shape_cast %min3A : vector<16xi32> to vector<1x16xi32>
    tpu.vector_store %arg6[%swap3A_11, %swap3A_12], %swap3A_15 {strides = array<i32>} : memref<2x32xi32, #tpu.memory_space<vmem>>, vector<1x16xi32>,
    %iota3A_16 = tpu.iota {dimensions = array<i32: 0>} : vector<16xi32>
    %add3A_17 = arith.constant 16 : i32
    %add3A_18 = arith.addi %add3A_6, %add3A_17 : i32
    %add3A_19 = vector.broadcast %add3A_18 : i32 to vector<16xi32>
    %add3A_20 = arith.addi %iota3A_16, %add3A_19 : vector<16xi32>
    %min3A_21 = arith.minsi %add3A_20, %get3A_4 : vector<16xi32>
    %swap3A_22 = arith.constant 0 : i32
    %swap3A_23 = arith.index_cast %swap3A_22 : i32 to index
    %swap3A_24 = arith.constant 16 : index
    %swap3A_25 = tpu.vector_load %arg6[%swap3A_23, %swap3A_24] {strides = array<i32>} : memref<2x32xi32, #tpu.memory_space<vmem>>, vector<1x16xi32>,
    %swap3A_26 = vector.shape_cast %swap3A_25 : vector<1x16xi32> to vector<16xi32>
    %swap3A_27 = vector.shape_cast %min3A_21 : vector<16xi32> to vector<1x16xi32>
    tpu.vector_store %arg6[%swap3A_23, %swap3A_24], %swap3A_27 {strides = array<i32>} : memref<2x32xi32, #tpu.memory_space<vmem>>, vector<1x16xi32>,
    %dma_start3A = arith.constant 0 : i32
    %dma_start3A_28 = arith.constant 0 : i32
    %dma_start3A_29 = arith.constant 0 : i32
    %dma_start3A_30 = arith.constant 0 : i32
    %dma_start3A_31 = tpu.memref_slice %arg7[%dma_start3A_28, %dma_start3A_29, %dma_start3A_30] : memref<2x32x1024xf32, #tpu.memory_space<vmem>> -> memref<1x32x1024xf32, #tpu.memory_space<vmem>>
    %dma_start3A_32 = tpu.memref_squeeze %dma_start3A_31 : memref<1x32x1024xf32, #tpu.memory_space<vmem>> -> memref<32x1024xf32, #tpu.memory_space<vmem>>
    %dma_start3A_33 = arith.constant 0 : i32
    %dma_start3A_34 = tpu.memref_slice %arg6[%dma_start3A, %dma_start3A_33] : memref<2x32xi32, #tpu.memory_space<vmem>> -> memref<1x32xi32, #tpu.memory_space<vmem>>
    %dma_start3A_35 = tpu.memref_squeeze %dma_start3A_34 : memref<1x32xi32, #tpu.memory_space<vmem>> -> memref<32xi32, #tpu.memory_space<vmem>>
    %dma_start3A_36 = arith.constant 0 : i32
    %dma_start3A_37 = arith.constant 0 : i32
    %dma_start3A_38 = tpu.memref_slice %arg2[%dma_start3A_36, %dma_start3A_37] : memref<8192x1024xf32, #tpu.memory_space<hbm>> -> memref<8192x1024xf32, #tpu.memory_space<hbm>>
    tpu.enqueue_indirect_dma source(%dma_start3A_38 : memref<8192x1024xf32, #tpu.memory_space<hbm>>) target(%dma_start3A_32 : memref<32x1024xf32, #tpu.memory_space<vmem>>) offsets(%dma_start3A_35 : memref<32xi32, #tpu.memory_space<vmem>>) semaphore(%arg8 : memref<!tpu.dma_semaphore, #tpu.memory_space<semaphore_mem>>)
    %add3A_39 = arith.constant 32 : i32
    %add3A_40 = arith.addi %mul3A_2, %add3A_39 : i32
    %iota3A_41 = tpu.iota {dimensions = array<i32: 0>} : vector<16xi32>
    %add3A_42 = arith.constant 0 : i32
    %add3A_43 = arith.addi %add3A_40, %add3A_42 : i32
    %add3A_44 = vector.broadcast %add3A_43 : i32 to vector<16xi32>
    %add3A_45 = arith.addi %iota3A_41, %add3A_44 : vector<16xi32>
    %min3A_46 = arith.minsi %add3A_45, %get3A_4 : vector<16xi32>
    %swap3A_47 = arith.constant 1 : i32
    %swap3A_48 = arith.index_cast %swap3A_47 : i32 to index
    %swap3A_49 = arith.constant 0 : index
    %swap3A_50 = tpu.vector_load %arg6[%swap3A_48, %swap3A_49] {strides = array<i32>} : memref<2x32xi32, #tpu.memory_space<vmem>>, vector<1x16xi32>,
    %swap3A_51 = vector.shape_cast %swap3A_50 : vector<1x16xi32> to vector<16xi32>
    %swap3A_52 = vector.shape_cast %min3A_46 : vector<16xi32> to vector<1x16xi32>
    tpu.vector_store %arg6[%swap3A_48, %swap3A_49], %swap3A_52 {strides = array<i32>} : memref<2x32xi32, #tpu.memory_space<vmem>>, vector<1x16xi32>,
    %iota3A_53 = tpu.iota {dimensions = array<i32: 0>} : vector<16xi32>
    %add3A_54 = arith.constant 16 : i32
    %add3A_55 = arith.addi %add3A_40, %add3A_54 : i32
    %add3A_56 = vector.broadcast %add3A_55 : i32 to vector<16xi32>
    %add3A_57 = arith.addi %iota3A_53, %add3A_56 : vector<16xi32>
    %min3A_58 = arith.minsi %add3A_57, %get3A_4 : vector<16xi32>
    %swap3A_59 = arith.constant 1 : i32
    %swap3A_60 = arith.index_cast %swap3A_59 : i32 to index
    %swap3A_61 = arith.constant 16 : index
    %swap3A_62 = tpu.vector_load %arg6[%swap3A_60, %swap3A_61] {strides = array<i32>} : memref<2x32xi32, #tpu.memory_space<vmem>>, vector<1x16xi32>,
    %swap3A_63 = vector.shape_cast %swap3A_62 : vector<1x16xi32> to vector<16xi32>
    %swap3A_64 = vector.shape_cast %min3A_58 : vector<16xi32> to vector<1x16xi32>
    tpu.vector_store %arg6[%swap3A_60, %swap3A_61], %swap3A_64 {strides = array<i32>} : memref<2x32xi32, #tpu.memory_space<vmem>>, vector<1x16xi32>,
    %dma_start3A_65 = arith.constant 1 : i32
    %dma_start3A_66 = arith.constant 1 : i32
    %dma_start3A_67 = arith.constant 0 : i32
    %dma_start3A_68 = arith.constant 0 : i32
    %dma_start3A_69 = tpu.memref_slice %arg7[%dma_start3A_66, %dma_start3A_67, %dma_start3A_68] : memref<2x32x1024xf32, #tpu.memory_space<vmem>> -> memref<1x32x1024xf32, #tpu.memory_space<vmem>>
    %dma_start3A_70 = tpu.memref_squeeze %dma_start3A_69 : memref<1x32x1024xf32, #tpu.memory_space<vmem>> -> memref<32x1024xf32, #tpu.memory_space<vmem>>
    %dma_start3A_71 = arith.constant 0 : i32
    %dma_start3A_72 = tpu.memref_slice %arg6[%dma_start3A_65, %dma_start3A_71] : memref<2x32xi32, #tpu.memory_space<vmem>> -> memref<1x32xi32, #tpu.memory_space<vmem>>
    %dma_start3A_73 = tpu.memref_squeeze %dma_start3A_72 : memref<1x32xi32, #tpu.memory_space<vmem>> -> memref<32xi32, #tpu.memory_space<vmem>>
    %dma_start3A_74 = arith.constant 0 : i32
    %dma_start3A_75 = arith.constant 0 : i32
    %dma_start3A_76 = tpu.memref_slice %arg2[%dma_start3A_74, %dma_start3A_75] : memref<8192x1024xf32, #tpu.memory_space<hbm>> -> memref<8192x1024xf32, #tpu.memory_space<hbm>>
    tpu.enqueue_indirect_dma source(%dma_start3A_76 : memref<8192x1024xf32, #tpu.memory_space<hbm>>) target(%dma_start3A_70 : memref<32x1024xf32, #tpu.memory_space<vmem>>) offsets(%dma_start3A_73 : memref<32xi32, #tpu.memory_space<vmem>>) semaphore(%arg9 : memref<!tpu.dma_semaphore, #tpu.memory_space<semaphore_mem>>)
    %scan3A = arith.constant 0 : i32
    %scan3A_77 = arith.constant 0 : i32
    %scan3A_78 = arith.constant 4 : i32
    %scan3A_79 = arith.addi %scan3A_77, %scan3A_78 : i32
    %scan3A_80 = arith.constant 1 : i32
    scf.for %scan3A_82 = %scan3A_77 to %scan3A_79 step %scan3A_80  : i32 {
      %mul3A_83 = arith.constant 2 : i32
      %mul3A_84 = arith.muli %scan3A_82, %mul3A_83 : i32
      %add3A_85 = arith.constant 0 : i32
      %add3A_86 = arith.addi %mul3A_84, %add3A_85 : i32
      %dma_wait3A = arith.constant 0 : i32
      %dma_wait3A_87 = arith.constant 0 : i32
      %dma_wait3A_88 = arith.constant 0 : i32
      %dma_wait3A_89 = arith.constant 0 : i32
      %dma_wait3A_90 = tpu.memref_slice %arg7[%dma_wait3A_87, %dma_wait3A_88, %dma_wait3A_89] : memref<2x32x1024xf32, #tpu.memory_space<vmem>> -> memref<1x32x1024xf32, #tpu.memory_space<vmem>>
      %dma_wait3A_91 = tpu.memref_squeeze %dma_wait3A_90 : memref<1x32x1024xf32, #tpu.memory_space<vmem>> -> memref<32x1024xf32, #tpu.memory_space<vmem>>
      %dma_wait3A_92 = arith.constant 0 : i32
      %dma_wait3A_93 = tpu.memref_slice %arg6[%dma_wait3A, %dma_wait3A_92] : memref<2x32xi32, #tpu.memory_space<vmem>> -> memref<1x32xi32, #tpu.memory_space<vmem>>
      %dma_wait3A_94 = tpu.memref_squeeze %dma_wait3A_93 : memref<1x32xi32, #tpu.memory_space<vmem>> -> memref<32xi32, #tpu.memory_space<vmem>>
      %dma_wait3A_95 = arith.constant 0 : i32
      %dma_wait3A_96 = arith.constant 0 : i32
      %dma_wait3A_97 = tpu.memref_slice %arg2[%dma_wait3A_95, %dma_wait3A_96] : memref<8192x1024xf32, #tpu.memory_space<hbm>> -> memref<8192x1024xf32, #tpu.memory_space<hbm>>
      tpu.wait_indirect_dma semaphore(%arg8 : memref<!tpu.dma_semaphore, #tpu.memory_space<semaphore_mem>>) src(%dma_wait3A_97 : memref<8192x1024xf32, #tpu.memory_space<hbm>>) dst(%dma_wait3A_91 : memref<32x1024xf32, #tpu.memory_space<vmem>>)
      %mul3A_98 = arith.constant 32 : i32
      %mul3A_99 = arith.muli %add3A_86, %mul3A_98 : i32
      %add3A_100 = arith.addi %mul3A_2, %mul3A_99 : i32
      %dma_start3A_101 = arith.constant 0 : i32
      %dma_start3A_102 = arith.constant 0 : i32
      %dma_start3A_103 = arith.constant 0 : i32
      %dma_start3A_104 = tpu.memref_slice %arg7[%dma_start3A_101, %dma_start3A_102, %dma_start3A_103] : memref<2x32x1024xf32, #tpu.memory_space<vmem>> -> memref<1x32x1024xf32, #tpu.memory_space<vmem>>
      %dma_start3A_105 = tpu.memref_squeeze %dma_start3A_104 : memref<1x32x1024xf32, #tpu.memory_space<vmem>> -> memref<32x1024xf32, #tpu.memory_space<vmem>>
      %dma_start3A_106 = arith.constant 0 : i32
      %dma_start3A_107 = arith.constant 0 : i32
      %dma_start3A_108 = tpu.memref_slice %arg4[%scan3A, %dma_start3A_106, %dma_start3A_107] : memref<1x8192x1024xf32, #tpu.memory_space<hbm>> -> memref<1x8192x1024xf32, #tpu.memory_space<hbm>>
      %dma_start3A_109 = tpu.memref_squeeze %dma_start3A_108 : memref<1x8192x1024xf32, #tpu.memory_space<hbm>> -> memref<8192x1024xf32, #tpu.memory_space<hbm>>
      %dma_start3A_110 = arith.constant 0 : i32
      %dma_start3A_111 = tpu.memref_slice %dma_start3A_109[%add3A_100, %dma_start3A_110] : memref<8192x1024xf32, #tpu.memory_space<hbm>> -> memref<32x1024xf32, #tpu.memory_space<hbm>>
      %dma_start3A_112 = arith.constant 0 : i32
      %dma_start3A_113 = arith.constant 0 : i32
      %dma_start3A_114 = tpu.memref_slice %arg4[%scan3A, %dma_start3A_112, %dma_start3A_113] : memref<1x8192x1024xf32, #tpu.memory_space<hbm>> -> memref<1x8192x1024xf32, #tpu.memory_space<hbm>>
      %dma_start3A_115 = tpu.memref_squeeze %dma_start3A_114 : memref<1x8192x1024xf32, #tpu.memory_space<hbm>> -> memref<8192x1024xf32, #tpu.memory_space<hbm>>
      %dma_start3A_116 = arith.constant 0 : i32
      %dma_start3A_117 = tpu.memref_slice %dma_start3A_115[%add3A_100, %dma_start3A_116] : memref<8192x1024xf32, #tpu.memory_space<hbm>> -> memref<32x1024xf32, #tpu.memory_space<hbm>>
      %dma_start3A_118 = arith.constant 0 : i32
      %dma_start3A_119 = arith.constant 0 : i32
      %dma_start3A_120 = tpu.memref_slice %arg7[%dma_start3A_101, %dma_start3A_118, %dma_start3A_119] : memref<2x32x1024xf32, #tpu.memory_space<vmem>> -> memref<1x32x1024xf32, #tpu.memory_space<vmem>>
      %dma_start3A_121 = tpu.memref_squeeze %dma_start3A_120 : memref<1x32x1024xf32, #tpu.memory_space<vmem>> -> memref<32x1024xf32, #tpu.memory_space<vmem>>
      tpu.enqueue_dma source(%dma_start3A_121 : memref<32x1024xf32, #tpu.memory_space<vmem>>) target(%dma_start3A_117 : memref<32x1024xf32, #tpu.memory_space<hbm>>) target_semaphore(%arg10 : memref<!tpu.dma_semaphore, #tpu.memory_space<semaphore_mem>>)
      %dma_wait3A_122 = arith.constant 0 : i32
      %dma_wait3A_123 = arith.constant 0 : i32
      %dma_wait3A_124 = arith.constant 0 : i32
      %dma_wait3A_125 = tpu.memref_slice %arg7[%dma_wait3A_122, %dma_wait3A_123, %dma_wait3A_124] : memref<2x32x1024xf32, #tpu.memory_space<vmem>> -> memref<1x32x1024xf32, #tpu.memory_space<vmem>>
      %dma_wait3A_126 = tpu.memref_squeeze %dma_wait3A_125 : memref<1x32x1024xf32, #tpu.memory_space<vmem>> -> memref<32x1024xf32, #tpu.memory_space<vmem>>
      %dma_wait3A_127 = arith.constant 0 : i32
      %dma_wait3A_128 = arith.constant 0 : i32
      %dma_wait3A_129 = tpu.memref_slice %arg4[%scan3A, %dma_wait3A_127, %dma_wait3A_128] : memref<1x8192x1024xf32, #tpu.memory_space<hbm>> -> memref<1x8192x1024xf32, #tpu.memory_space<hbm>>
      %dma_wait3A_130 = tpu.memref_squeeze %dma_wait3A_129 : memref<1x8192x1024xf32, #tpu.memory_space<hbm>> -> memref<8192x1024xf32, #tpu.memory_space<hbm>>
      %dma_wait3A_131 = arith.constant 0 : i32
      %dma_wait3A_132 = tpu.memref_slice %dma_wait3A_130[%mul3A_2, %dma_wait3A_131] : memref<8192x1024xf32, #tpu.memory_space<hbm>> -> memref<32x1024xf32, #tpu.memory_space<hbm>>
      %dma_wait3A_133 = arith.constant 0 : i32
      %dma_wait3A_134 = arith.constant 0 : i32
      %dma_wait3A_135 = tpu.memref_slice %arg4[%scan3A, %dma_wait3A_133, %dma_wait3A_134] : memref<1x8192x1024xf32, #tpu.memory_space<hbm>> -> memref<1x8192x1024xf32, #tpu.memory_space<hbm>>
      %dma_wait3A_136 = tpu.memref_squeeze %dma_wait3A_135 : memref<1x8192x1024xf32, #tpu.memory_space<hbm>> -> memref<8192x1024xf32, #tpu.memory_space<hbm>>
      %dma_wait3A_137 = arith.constant 0 : i32
      %dma_wait3A_138 = tpu.memref_slice %dma_wait3A_136[%mul3A_2, %dma_wait3A_137] : memref<8192x1024xf32, #tpu.memory_space<hbm>> -> memref<32x1024xf32, #tpu.memory_space<hbm>>
      %dma_wait3A_139 = arith.constant 0 : i32
      %dma_wait3A_140 = arith.constant 0 : i32
      %dma_wait3A_141 = tpu.memref_slice %arg7[%dma_wait3A_122, %dma_wait3A_139, %dma_wait3A_140] : memref<2x32x1024xf32, #tpu.memory_space<vmem>> -> memref<1x32x1024xf32, #tpu.memory_space<vmem>>
      %dma_wait3A_142 = tpu.memref_squeeze %dma_wait3A_141 : memref<1x32x1024xf32, #tpu.memory_space<vmem>> -> memref<32x1024xf32, #tpu.memory_space<vmem>>
      tpu.wait_dma2 semaphore(%arg10 : memref<!tpu.dma_semaphore, #tpu.memory_space<semaphore_mem>>) src(%dma_wait3A_142 : memref<32x1024xf32, #tpu.memory_space<vmem>>) dst(%dma_wait3A_138 : memref<32x1024xf32, #tpu.memory_space<hbm>>)
      %add3A_143 = arith.constant 2 : i32
      %add3A_144 = arith.addi %add3A_86, %add3A_143 : i32
      %lt3A = arith.constant 8 : i32
      %lt3A_145 = arith.cmpi slt, %add3A_144, %lt3A : i32
      %convert_element_type3A = arith.extui %lt3A_145 : i1 to i32
      %cond3A = arith.constant 0 : i32
      %cond3A_146 = arith.cmpi ne, %convert_element_type3A, %cond3A : i32
      scf.if %cond3A_146 {
        %add3A_215 = arith.constant 2 : i32
        %add3A_216 = arith.addi %add3A_86, %add3A_215 : i32
        %mul3A_217 = arith.constant 32 : i32
        %mul3A_218 = arith.muli %add3A_216, %mul3A_217 : i32
        %add3A_219 = arith.addi %mul3A_2, %mul3A_218 : i32
        %iota3A_220 = tpu.iota {dimensions = array<i32: 0>} : vector<16xi32>
        %add3A_221 = arith.constant 0 : i32
        %add3A_222 = arith.addi %add3A_219, %add3A_221 : i32
        %add3A_223 = vector.broadcast %add3A_222 : i32 to vector<16xi32>
        %add3A_224 = arith.addi %iota3A_220, %add3A_223 : vector<16xi32>
        %min3A_225 = arith.minsi %add3A_224, %get3A_4 : vector<16xi32>
        %swap3A_226 = arith.constant 0 : i32
        %swap3A_227 = arith.index_cast %swap3A_226 : i32 to index
        %swap3A_228 = arith.constant 0 : index
        %swap3A_229 = tpu.vector_load %arg6[%swap3A_227, %swap3A_228] {strides = array<i32>} : memref<2x32xi32, #tpu.memory_space<vmem>>, vector<1x16xi32>,
        %swap3A_230 = vector.shape_cast %swap3A_229 : vector<1x16xi32> to vector<16xi32>
        %swap3A_231 = vector.shape_cast %min3A_225 : vector<16xi32> to vector<1x16xi32>
        tpu.vector_store %arg6[%swap3A_227, %swap3A_228], %swap3A_231 {strides = array<i32>} : memref<2x32xi32, #tpu.memory_space<vmem>>, vector<1x16xi32>,
        %iota3A_232 = tpu.iota {dimensions = array<i32: 0>} : vector<16xi32>
        %add3A_233 = arith.constant 16 : i32
        %add3A_234 = arith.addi %add3A_219, %add3A_233 : i32
        %add3A_235 = vector.broadcast %add3A_234 : i32 to vector<16xi32>
        %add3A_236 = arith.addi %iota3A_232, %add3A_235 : vector<16xi32>
        %min3A_237 = arith.minsi %add3A_236, %get3A_4 : vector<16xi32>
        %swap3A_238 = arith.constant 0 : i32
        %swap3A_239 = arith.index_cast %swap3A_238 : i32 to index
        %swap3A_240 = arith.constant 16 : index
        %swap3A_241 = tpu.vector_load %arg6[%swap3A_239, %swap3A_240] {strides = array<i32>} : memref<2x32xi32, #tpu.memory_space<vmem>>, vector<1x16xi32>,
        %swap3A_242 = vector.shape_cast %swap3A_241 : vector<1x16xi32> to vector<16xi32>
        %swap3A_243 = vector.shape_cast %min3A_237 : vector<16xi32> to vector<1x16xi32>
        tpu.vector_store %arg6[%swap3A_239, %swap3A_240], %swap3A_243 {strides = array<i32>} : memref<2x32xi32, #tpu.memory_space<vmem>>, vector<1x16xi32>,
        %dma_start3A_244 = arith.constant 0 : i32
        %dma_start3A_245 = arith.constant 0 : i32
        %dma_start3A_246 = arith.constant 0 : i32
        %dma_start3A_247 = arith.constant 0 : i32
        %dma_start3A_248 = tpu.memref_slice %arg7[%dma_start3A_245, %dma_start3A_246, %dma_start3A_247] : memref<2x32x1024xf32, #tpu.memory_space<vmem>> -> memref<1x32x1024xf32, #tpu.memory_space<vmem>>
        %dma_start3A_249 = tpu.memref_squeeze %dma_start3A_248 : memref<1x32x1024xf32, #tpu.memory_space<vmem>> -> memref<32x1024xf32, #tpu.memory_space<vmem>>
        %dma_start3A_250 = arith.constant 0 : i32
        %dma_start3A_251 = tpu.memref_slice %arg6[%dma_start3A_244, %dma_start3A_250] : memref<2x32xi32, #tpu.memory_space<vmem>> -> memref<1x32xi32, #tpu.memory_space<vmem>>
        %dma_start3A_252 = tpu.memref_squeeze %dma_start3A_251 : memref<1x32xi32, #tpu.memory_space<vmem>> -> memref<32xi32, #tpu.memory_space<vmem>>
        %dma_start3A_253 = arith.constant 0 : i32
        %dma_start3A_254 = arith.constant 0 : i32
        %dma_start3A_255 = tpu.memref_slice %arg2[%dma_start3A_253, %dma_start3A_254] : memref<8192x1024xf32, #tpu.memory_space<hbm>> -> memref<8192x1024xf32, #tpu.memory_space<hbm>>
        tpu.enqueue_indirect_dma source(%dma_start3A_255 : memref<8192x1024xf32, #tpu.memory_space<hbm>>) target(%dma_start3A_249 : memref<32x1024xf32, #tpu.memory_space<vmem>>) offsets(%dma_start3A_252 : memref<32xi32, #tpu.memory_space<vmem>>) semaphore(%arg8 : memref<!tpu.dma_semaphore, #tpu.memory_space<semaphore_mem>>)
      } else {
      }
      %mul3A_147 = arith.constant 2 : i32
      %mul3A_148 = arith.muli %scan3A_82, %mul3A_147 : i32
      %add3A_149 = arith.constant 1 : i32
      %add3A_150 = arith.addi %mul3A_148, %add3A_149 : i32
      %dma_wait3A_151 = arith.constant 1 : i32
      %dma_wait3A_152 = arith.constant 1 : i32
      %dma_wait3A_153 = arith.constant 0 : i32
      %dma_wait3A_154 = arith.constant 0 : i32
      %dma_wait3A_155 = tpu.memref_slice %arg7[%dma_wait3A_152, %dma_wait3A_153, %dma_wait3A_154] : memref<2x32x1024xf32, #tpu.memory_space<vmem>> -> memref<1x32x1024xf32, #tpu.memory_space<vmem>>
      %dma_wait3A_156 = tpu.memref_squeeze %dma_wait3A_155 : memref<1x32x1024xf32, #tpu.memory_space<vmem>> -> memref<32x1024xf32, #tpu.memory_space<vmem>>
      %dma_wait3A_157 = arith.constant 0 : i32
      %dma_wait3A_158 = tpu.memref_slice %arg6[%dma_wait3A_151, %dma_wait3A_157] : memref<2x32xi32, #tpu.memory_space<vmem>> -> memref<1x32xi32, #tpu.memory_space<vmem>>
      %dma_wait3A_159 = tpu.memref_squeeze %dma_wait3A_158 : memref<1x32xi32, #tpu.memory_space<vmem>> -> memref<32xi32, #tpu.memory_space<vmem>>
      %dma_wait3A_160 = arith.constant 0 : i32
      %dma_wait3A_161 = arith.constant 0 : i32
      %dma_wait3A_162 = tpu.memref_slice %arg2[%dma_wait3A_160, %dma_wait3A_161] : memref<8192x1024xf32, #tpu.memory_space<hbm>> -> memref<8192x1024xf32, #tpu.memory_space<hbm>>
      tpu.wait_indirect_dma semaphore(%arg9 : memref<!tpu.dma_semaphore, #tpu.memory_space<semaphore_mem>>) src(%dma_wait3A_162 : memref<8192x1024xf32, #tpu.memory_space<hbm>>) dst(%dma_wait3A_156 : memref<32x1024xf32, #tpu.memory_space<vmem>>)
      %mul3A_163 = arith.constant 32 : i32
      %mul3A_164 = arith.muli %add3A_150, %mul3A_163 : i32
      %add3A_165 = arith.addi %mul3A_2, %mul3A_164 : i32
      %dma_start3A_166 = arith.constant 1 : i32
      %dma_start3A_167 = arith.constant 0 : i32
      %dma_start3A_168 = arith.constant 0 : i32
      %dma_start3A_169 = tpu.memref_slice %arg7[%dma_start3A_166, %dma_start3A_167, %dma_start3A_168] : memref<2x32x1024xf32, #tpu.memory_space<vmem>> -> memref<1x32x1024xf32, #tpu.memory_space<vmem>>
      %dma_start3A_170 = tpu.memref_squeeze %dma_start3A_169 : memref<1x32x1024xf32, #tpu.memory_space<vmem>> -> memref<32x1024xf32, #tpu.memory_space<vmem>>
      %dma_start3A_171 = arith.constant 0 : i32
      %dma_start3A_172 = arith.constant 0 : i32
      %dma_start3A_173 = tpu.memref_slice %arg4[%scan3A, %dma_start3A_171, %dma_start3A_172] : memref<1x8192x1024xf32, #tpu.memory_space<hbm>> -> memref<1x8192x1024xf32, #tpu.memory_space<hbm>>
      %dma_start3A_174 = tpu.memref_squeeze %dma_start3A_173 : memref<1x8192x1024xf32, #tpu.memory_space<hbm>> -> memref<8192x1024xf32, #tpu.memory_space<hbm>>
      %dma_start3A_175 = arith.constant 0 : i32
      %dma_start3A_176 = tpu.memref_slice %dma_start3A_174[%add3A_165, %dma_start3A_175] : memref<8192x1024xf32, #tpu.memory_space<hbm>> -> memref<32x1024xf32, #tpu.memory_space<hbm>>
      %dma_start3A_177 = arith.constant 0 : i32
      %dma_start3A_178 = arith.constant 0 : i32
      %dma_start3A_179 = tpu.memref_slice %arg4[%scan3A, %dma_start3A_177, %dma_start3A_178] : memref<1x8192x1024xf32, #tpu.memory_space<hbm>> -> memref<1x8192x1024xf32, #tpu.memory_space<hbm>>
      %dma_start3A_180 = tpu.memref_squeeze %dma_start3A_179 : memref<1x8192x1024xf32, #tpu.memory_space<hbm>> -> memref<8192x1024xf32, #tpu.memory_space<hbm>>
      %dma_start3A_181 = arith.constant 0 : i32
      %dma_start3A_182 = tpu.memref_slice %dma_start3A_180[%add3A_165, %dma_start3A_181] : memref<8192x1024xf32, #tpu.memory_space<hbm>> -> memref<32x1024xf32, #tpu.memory_space<hbm>>
      %dma_start3A_183 = arith.constant 0 : i32
      %dma_start3A_184 = arith.constant 0 : i32
      %dma_start3A_185 = tpu.memref_slice %arg7[%dma_start3A_166, %dma_start3A_183, %dma_start3A_184] : memref<2x32x1024xf32, #tpu.memory_space<vmem>> -> memref<1x32x1024xf32, #tpu.memory_space<vmem>>
      %dma_start3A_186 = tpu.memref_squeeze %dma_start3A_185 : memref<1x32x1024xf32, #tpu.memory_space<vmem>> -> memref<32x1024xf32, #tpu.memory_space<vmem>>
      tpu.enqueue_dma source(%dma_start3A_186 : memref<32x1024xf32, #tpu.memory_space<vmem>>) target(%dma_start3A_182 : memref<32x1024xf32, #tpu.memory_space<hbm>>) target_semaphore(%arg11 : memref<!tpu.dma_semaphore, #tpu.memory_space<semaphore_mem>>)
      %dma_wait3A_187 = arith.constant 1 : i32
      %dma_wait3A_188 = arith.constant 0 : i32
      %dma_wait3A_189 = arith.constant 0 : i32
      %dma_wait3A_190 = tpu.memref_slice %arg7[%dma_wait3A_187, %dma_wait3A_188, %dma_wait3A_189] : memref<2x32x1024xf32, #tpu.memory_space<vmem>> -> memref<1x32x1024xf32, #tpu.memory_space<vmem>>
      %dma_wait3A_191 = tpu.memref_squeeze %dma_wait3A_190 : memref<1x32x1024xf32, #tpu.memory_space<vmem>> -> memref<32x1024xf32, #tpu.memory_space<vmem>>
      %dma_wait3A_192 = arith.constant 0 : i32
      %dma_wait3A_193 = arith.constant 0 : i32
      %dma_wait3A_194 = tpu.memref_slice %arg4[%scan3A, %dma_wait3A_192, %dma_wait3A_193] : memref<1x8192x1024xf32, #tpu.memory_space<hbm>> -> memref<1x8192x1024xf32, #tpu.memory_space<hbm>>
      %dma_wait3A_195 = tpu.memref_squeeze %dma_wait3A_194 : memref<1x8192x1024xf32, #tpu.memory_space<hbm>> -> memref<8192x1024xf32, #tpu.memory_space<hbm>>
      %dma_wait3A_196 = arith.constant 0 : i32
      %dma_wait3A_197 = tpu.memref_slice %dma_wait3A_195[%mul3A_2, %dma_wait3A_196] : memref<8192x1024xf32, #tpu.memory_space<hbm>> -> memref<32x1024xf32, #tpu.memory_space<hbm>>
      %dma_wait3A_198 = arith.constant 0 : i32
      %dma_wait3A_199 = arith.constant 0 : i32
      %dma_wait3A_200 = tpu.memref_slice %arg4[%scan3A, %dma_wait3A_198, %dma_wait3A_199] : memref<1x8192x1024xf32, #tpu.memory_space<hbm>> -> memref<1x8192x1024xf32, #tpu.memory_space<hbm>>
      %dma_wait3A_201 = tpu.memref_squeeze %dma_wait3A_200 : memref<1x8192x1024xf32, #tpu.memory_space<hbm>> -> memref<8192x1024xf32, #tpu.memory_space<hbm>>
      %dma_wait3A_202 = arith.constant 0 : i32
      %dma_wait3A_203 = tpu.memref_slice %dma_wait3A_201[%mul3A_2, %dma_wait3A_202] : memref<8192x1024xf32, #tpu.memory_space<hbm>> -> memref<32x1024xf32, #tpu.memory_space<hbm>>
      %dma_wait3A_204 = arith.constant 0 : i32
      %dma_wait3A_205 = arith.constant 0 : i32
      %dma_wait3A_206 = tpu.memref_slice %arg7[%dma_wait3A_187, %dma_wait3A_204, %dma_wait3A_205] : memref<2x32x1024xf32, #tpu.memory_space<vmem>> -> memref<1x32x1024xf32, #tpu.memory_space<vmem>>
      %dma_wait3A_207 = tpu.memref_squeeze %dma_wait3A_206 : memref<1x32x1024xf32, #tpu.memory_space<vmem>> -> memref<32x1024xf32, #tpu.memory_space<vmem>>
      tpu.wait_dma2 semaphore(%arg11 : memref<!tpu.dma_semaphore, #tpu.memory_space<semaphore_mem>>) src(%dma_wait3A_207 : memref<32x1024xf32, #tpu.memory_space<vmem>>) dst(%dma_wait3A_203 : memref<32x1024xf32, #tpu.memory_space<hbm>>)
      %add3A_208 = arith.constant 2 : i32
      %add3A_209 = arith.addi %add3A_150, %add3A_208 : i32
      %lt3A_210 = arith.constant 8 : i32
      %lt3A_211 = arith.cmpi slt, %add3A_209, %lt3A_210 : i32
      %convert_element_type3A_212 = arith.extui %lt3A_211 : i1 to i32
      %cond3A_213 = arith.constant 0 : i32
      %cond3A_214 = arith.cmpi ne, %convert_element_type3A_212, %cond3A_213 : i32
      scf.if %cond3A_214 {
        %add3A_215 = arith.constant 2 : i32
        %add3A_216 = arith.addi %add3A_150, %add3A_215 : i32
        %mul3A_217 = arith.constant 32 : i32
        %mul3A_218 = arith.muli %add3A_216, %mul3A_217 : i32
        %add3A_219 = arith.addi %mul3A_2, %mul3A_218 : i32
        %iota3A_220 = tpu.iota {dimensions = array<i32: 0>} : vector<16xi32>
        %add3A_221 = arith.constant 0 : i32
        %add3A_222 = arith.addi %add3A_219, %add3A_221 : i32
        %add3A_223 = vector.broadcast %add3A_222 : i32 to vector<16xi32>
        %add3A_224 = arith.addi %iota3A_220, %add3A_223 : vector<16xi32>
        %min3A_225 = arith.minsi %add3A_224, %get3A_4 : vector<16xi32>
        %swap3A_226 = arith.constant 1 : i32
        %swap3A_227 = arith.index_cast %swap3A_226 : i32 to index
        %swap3A_228 = arith.constant 0 : index
        %swap3A_229 = tpu.vector_load %arg6[%swap3A_227, %swap3A_228] {strides = array<i32>} : memref<2x32xi32, #tpu.memory_space<vmem>>, vector<1x16xi32>,
        %swap3A_230 = vector.shape_cast %swap3A_229 : vector<1x16xi32> to vector<16xi32>
        %swap3A_231 = vector.shape_cast %min3A_225 : vector<16xi32> to vector<1x16xi32>
        tpu.vector_store %arg6[%swap3A_227, %swap3A_228], %swap3A_231 {strides = array<i32>} : memref<2x32xi32, #tpu.memory_space<vmem>>, vector<1x16xi32>,
        %iota3A_232 = tpu.iota {dimensions = array<i32: 0>} : vector<16xi32>
        %add3A_233 = arith.constant 16 : i32
        %add3A_234 = arith.addi %add3A_219, %add3A_233 : i32
        %add3A_235 = vector.broadcast %add3A_234 : i32 to vector<16xi32>
        %add3A_236 = arith.addi %iota3A_232, %add3A_235 : vector<16xi32>
        %min3A_237 = arith.minsi %add3A_236, %get3A_4 : vector<16xi32>
        %swap3A_238 = arith.constant 1 : i32
        %swap3A_239 = arith.index_cast %swap3A_238 : i32 to index
        %swap3A_240 = arith.constant 16 : index
        %swap3A_241 = tpu.vector_load %arg6[%swap3A_239, %swap3A_240] {strides = array<i32>} : memref<2x32xi32, #tpu.memory_space<vmem>>, vector<1x16xi32>,
        %swap3A_242 = vector.shape_cast %swap3A_241 : vector<1x16xi32> to vector<16xi32>
        %swap3A_243 = vector.shape_cast %min3A_237 : vector<16xi32> to vector<1x16xi32>
        tpu.vector_store %arg6[%swap3A_239, %swap3A_240], %swap3A_243 {strides = array<i32>} : memref<2x32xi32, #tpu.memory_space<vmem>>, vector<1x16xi32>,
        %dma_start3A_244 = arith.constant 1 : i32
        %dma_start3A_245 = arith.constant 1 : i32
        %dma_start3A_246 = arith.constant 0 : i32
        %dma_start3A_247 = arith.constant 0 : i32
        %dma_start3A_248 = tpu.memref_slice %arg7[%dma_start3A_245, %dma_start3A_246, %dma_start3A_247] : memref<2x32x1024xf32, #tpu.memory_space<vmem>> -> memref<1x32x1024xf32, #tpu.memory_space<vmem>>
        %dma_start3A_249 = tpu.memref_squeeze %dma_start3A_248 : memref<1x32x1024xf32, #tpu.memory_space<vmem>> -> memref<32x1024xf32, #tpu.memory_space<vmem>>
        %dma_start3A_250 = arith.constant 0 : i32
        %dma_start3A_251 = tpu.memref_slice %arg6[%dma_start3A_244, %dma_start3A_250] : memref<2x32xi32, #tpu.memory_space<vmem>> -> memref<1x32xi32, #tpu.memory_space<vmem>>
        %dma_start3A_252 = tpu.memref_squeeze %dma_start3A_251 : memref<1x32xi32, #tpu.memory_space<vmem>> -> memref<32xi32, #tpu.memory_space<vmem>>
        %dma_start3A_253 = arith.constant 0 : i32
        %dma_start3A_254 = arith.constant 0 : i32
        %dma_start3A_255 = tpu.memref_slice %arg2[%dma_start3A_253, %dma_start3A_254] : memref<8192x1024xf32, #tpu.memory_space<hbm>> -> memref<8192x1024xf32, #tpu.memory_space<hbm>>
        tpu.enqueue_indirect_dma source(%dma_start3A_255 : memref<8192x1024xf32, #tpu.memory_space<hbm>>) target(%dma_start3A_249 : memref<32x1024xf32, #tpu.memory_space<vmem>>) offsets(%dma_start3A_252 : memref<32xi32, #tpu.memory_space<vmem>>) semaphore(%arg9 : memref<!tpu.dma_semaphore, #tpu.memory_space<semaphore_mem>>)
      } else {
      }
    }
    %scan3A_81 = arith.constant 4 : i32
    return
  }
}

</mosaic_0001>

<sc_bundles>
// kernel: kernel.3.cloned.1.call-start
scs
__scs_entry_jumppad:
0x0: {  	(pc) =	sbr.rel $0x88, $3  }
0x1: {  	(tag) =	ssettag $0x0;
	lr =	simm.s32 $0x1  }
0x2: {  	[smem:$0x3F9F] =	sst lr;
	_ =	strace $0xD0000000  }
0x3: {  	_ = 	snop  }
0x4: {  	_ = 	snop  }
0x5: {  	_ = 	snop  }
0x6: {  	_ = 	snop  }
0x7: {  	_ = 	snop  }
__scs_overlays_trampoline_lowered:
0x8: {  	[smem:$0x3FAE] =	sst s0  }
0x9: {  	[smem:$0x3FAF] =	sst s1  }
0xa: {  	[smem:$0x3FB0] =	sst s2  }
0xb: {  	[smem:$0x3FB1] =	sst s3  }
0xc: {  	[smem:$0x3FB2] =	sst s4  }
0xd: {  	[smem:$0x3FB3] =	sst s5  }
0xe: {  	[smem:$0x3FB4] =	sst s6  }
0xf: {  	[smem:$0x3FB5] =	sst s7  }
0x10: {  	[smem:$0x3FB6] =	sst s8  }
0x11: {  	[smem:$0x3FB7] =	sst s9;
	s0 =	simm.s32 @!p0 $0x0  }
0x12: {  	s1 =	sld [smem:$0x3F9D];
	s0 =	simm.s32 @p0 $0x1  }
0x13: {  	[smem:$0x3FB8] =	sst s0;
	s0 =	simm.s32 @!p1 $0x0  }
0x14: {  	s2 =	sld [smem:$0x3F9C];
	s0 =	simm.s32 @p1 $0x1  }
0x15: {  	[smem:$0x3FB9] =	sst s0;
	s0 =	simm.s32 @!p2 $0x0  }
0x16: {  	s3 =	sld [smem:$0x3FDB];
	s0 =	simm.s32 @p2 $0x1  }
0x17: {  	s4 =	simm.s32 $0x1BF5;
	[smem:$0x3FBB] =	sst s0  }
0x18: {  	s0 =	sld [smem:$0x3F9E];
	_ =	swait.ge [sflag:s4], $0x0  }
0x19: {  	s7 =	sld [smem:$0x3F9F]  }
0x1a: {  	s8 =	sadd.s32 $0xFFFFE003, lr  }
0x1b: {  	s9 =	sadd.s32 $0xFFFFFEF7, lr;
	s5 =	simm.s32 $0xFFFFFFFF;
	p2 =	slt.u32 s8, $0xFFFFF086  }
0x1c: {  	p1 =	slt.u32 s9, $0xF7A;
	s5 =	simm.s32 @!p2 $0x0  }
0x1d: {  	s5 =	simm.s32 @p1 $0x1;
	p0 =	seq.s32 s7, s2  }
0x1e: {  	s7 =	smul.u32 @!p0 $0xF7A, s2;
	p2 =	seq.s32 @!p0 s5, $0x0  }
0x1f: {  	s9 =	smul.u32 $0xF7A, s1;
	s8 =	simm.s32 @!p0 $0x1BF5;
	p2 =	por !p2, p0  }
0x20: {  	[sflag:s8] =	ssyncset.s32 @!p0 $0xFFFFF086;
	s6 =	sadd.s32 @!p0 s3, s7;
	s7 =	simm.s32 @!p0 $0x108  }
0x21: {  	s3 =	sadd.s32 s3, s9;
	s6 =	sadd.s32 @!p0 $0x88, s6;
	s7 =	simm.s32 @p2 $0x1082  }
0x22: {  	[simem:s7], [sflag:s8] =	dma.local @!p0 [hbm:s6], $0xF7A  }
0x23: {  	s9 =	sor.u32 $0xD0000000, s2;
	s6 =	simm.s32 $0x108;
	_ =	swait.ge @!p0 [sflag:s8], $0x0  }
0x24: {  	s3 =	sadd.s32 $0x88, s3;
	s6 =	simm.s32 @!p1 $0x1082;
	[sflag:s4] =	ssyncset.s32 $0xFFFFF086  }
0x25: {  	[simem:s6], [sflag:s4] =	dma.local [hbm:s3], $0xF7A  }
0x26: {  	[smem:$0x3F9F] =	sst s1;
	(tag) =	ssettag s2;
	_ =	strace s9  }
0x27: {  	s1 =	sld [smem:$0x3FAF]  }
0x28: {  	s2 =	sld [smem:$0x3FB0]  }
0x29: {  	s4 =	sld [smem:$0x3FB2]  }
0x2a: {  	p0 =	seq.s32 s5, $0x0;
	s5 =	sld [smem:$0x3FB3]  }
0x2b: {  	s6 =	sld [smem:$0x3FB4]  }
0x2c: {  	s7 =	sld [smem:$0x3FB5]  }
0x2d: {  	s3 =	simm.s32 $0x108;
	s8 =	sld [smem:$0x3FB6]  }
0x2e: {  	s3 =	simm.s32 @!p0 $0x1082;
	s9 =	sld [smem:$0x3FB7]  }
0x2f: {  	lr =	sadd.s32 s0, s3;
	s0 =	sld [smem:$0x3FAE]  }
0x30: {  	s3 =	sld [smem:$0x3FB1]  }
0x31: {  	[smem:$0x3FBA] =	sst s10  }
0x32: {  	s10 =	sld [smem:$0x3FB8];
	_ =	sdelay $0x3  }
0x33: {  	p0 =	seq.s32 s10, $0x1;
	s10 =	sld [smem:$0x3FBA];
	_ =	sdelay $0x3  }
0x34: {  	[smem:$0x3FBA] =	sst s10  }
0x35: {  	s10 =	sld [smem:$0x3FB9];
	_ =	sdelay $0x3  }
0x36: {  	p1 =	seq.s32 s10, $0x1;
	s10 =	sld [smem:$0x3FBA];
	_ =	sdelay $0x3  }
0x37: {  	[smem:$0x3FBA] =	sst s10  }
0x38: {  	s10 =	sld [smem:$0x3FBB]  }
0x39: {  	_ = 	snop;
	(pc) =	sbr.ind lr, $3  }
0x3a: {  	_ = 	snop  }
0x3b: {  	_ = 	snop  }
0x3c: {  	p2 =	seq.s32 s10, $0x1;
	s10 =	sld [smem:$0x3FBA]  }
0x3d: {  	_ =	shalt  }
0x3e: {  	_ =	shalt  }
0x3f: {  	_ =	shalt  }
0x40: {  	_ =	shalt  }
0x41: {  	_ =	shalt  }
0x42: {  	_ =	shalt  }
0x43: {  	_ =	shalt  }
0x44: {  	_ =	shalt  }
0x45: {  	_ =	shalt  }
0x46: {  	_ =	shalt  }
0x47: {  	_ =	shalt  }
0x48: {  	_ =	shalt  }
0x49: {  	_ =	shalt  }
0x4a: {  	_ =	shalt  }
0x4b: {  	_ =	shalt  }
0x4c: {  	_ =	shalt  }
0x4d: {  	_ =	shalt  }
0x4e: {  	_ =	shalt  }
0x4f: {  	_ =	shalt  }
0x50: {  	_ =	shalt  }
0x51: {  	_ =	shalt  }
0x52: {  	_ =	shalt  }
0x53: {  	_ =	shalt  }
0x54: {  	_ =	shalt  }
0x55: {  	_ =	shalt  }
0x56: {  	_ =	shalt  }
0x57: {  	_ =	shalt  }
0x58: {  	_ =	shalt  }
0x59: {  	_ =	shalt  }
0x5a: {  	_ =	shalt  }
0x5b: {  	_ =	shalt  }
0x5c: {  	_ =	shalt  }
0x5d: {  	_ =	shalt  }
0x5e: {  	_ =	shalt  }
0x5f: {  	_ =	shalt  }
0x60: {  	_ =	shalt  }
0x61: {  	_ =	shalt  }
0x62: {  	_ =	shalt  }
0x63: {  	_ =	shalt  }
0x64: {  	_ =	shalt  }
0x65: {  	_ =	shalt  }
0x66: {  	_ =	shalt  }
0x67: {  	_ =	shalt  }
0x68: {  	_ =	shalt  }
0x69: {  	_ =	shalt  }
0x6a: {  	_ =	shalt  }
0x6b: {  	_ =	shalt  }
0x6c: {  	_ =	shalt  }
0x6d: {  	_ =	shalt  }
0x6e: {  	_ =	shalt  }
0x6f: {  	_ =	shalt  }
0x70: {  	_ =	shalt  }
0x71: {  	_ =	shalt  }
0x72: {  	_ =	shalt  }
0x73: {  	_ =	shalt  }
0x74: {  	_ =	shalt  }
0x75: {  	_ =	shalt  }
0x76: {  	_ =	shalt  }
0x77: {  	_ =	shalt  }
0x78: {  	_ =	shalt  }
0x79: {  	_ =	shalt  }
0x7a: {  	_ =	shalt  }
0x7b: {  	_ =	shalt  }
0x7c: {  	_ =	shalt  }
0x7d: {  	_ =	shalt  }
0x7e: {  	_ =	shalt  }
0x7f: {  	_ =	shalt  }
0x80: {  	_ =	shalt  }
0x81: {  	_ =	shalt  }
0x82: {  	_ =	shalt  }
0x83: {  	_ =	shalt  }
0x84: {  	_ =	shalt  }
0x85: {  	_ =	shalt  }
0x86: {  	_ =	shalt  }
0x87: {  	_ =	shalt  }
.Lfunc_end0:
.L_simem_size_0:
called_computation_lowered:
.L_overlay_start_0:
0x88: {  	s2 =	sld [smem:$0x3FD9]  }
0x89: {  	s3 =	sld [smem:$0x3FFE];
	_ =	sdelay $0x1  }
0x8a: {  	s1 =	srdreg.scid  }
0x8b: {  	s0 =	sand.u32 $0x1, s1  }
0x8c: {  	s17 =	sshll.u32 s0, $0xA;
	s2 =	sadd.s32 s3, s2  }
0x8d: {  	s2 =	sadd.s32 s2, s17  }
0x8e: {  	[smem:$0x3FC6] =	sst s2  }
0x8f: {  	_ = 	snop  }
0x90: {  	s2 =	sld [smem:$0x3FC9]  }
0x91: {  	s18 =	sld [smem:$0x3FD0];
	(tm) =	ssettm $0x1  }
0x92: {  	s4 =	sld [smem:$0x3FFB];
	_ =	sdelay $0x3  }
0x93: {  	_ =	strace s4  }
0x94: {  	s4 =	sld [smem:$0x3FFC];
	_ =	sdelay $0x3  }
0x95: {  	_ =	strace s4  }
0x96: {  	s4 =	sld [smem:$0x3FFD];
	_ =	sdelay $0x3  }
0x97: {  	_ =	strace s4  }
0x98: {  	_ =	strace $0x8FFFFFFF  }
0x99: {  	s19 =	sld [smem:$0x3FDB];
	_ =	sdelay $0x1  }
0x9a: {  	s5 =	simm.s32 $_scs_section_size  }
0x9b: {  	s6 =	simm.s32 $_size__tile_overlayer_lowered;
	s7 =	simm.s32 $_tile_overlayer_lowered  }
0x9c: {  	s22 =	simm.s32 $0x1BFF;
	s21 =	sshll.u32 s7, $0x1;
	s4 =	sadd.s32 s5, s19  }
0x9d: {  	s8 =	simm.s32 $0x0;
	s20 =	sshll.u32 s6, $0x1;
	s6 =	sadd.s32 s21, s4  }
0x9e: {  	[timem:s8], [sflag:s22] =	dma.local [hbm:s6], s20  }
0x9f: {  	_ =	swait.ge [sflag:s22], s20  }
0xa0: {  	s5 =	ssub.s32 $0x0, s20;
	[sflag:s22] =	ssyncset.done $0x0  }
0xa1: {  	[sflag:s22] =	ssyncadd.s32 s5;
	_ =	sdelay $0x1  }
0xa2: {  	s23 =	simm.s32 $0x1B8B  }
0xa3: {  	_ =	swait.ge [sflag:s23], $0x1  }
0xa4: {  	[sflag:s23] =	ssyncset.done $0x0  }
0xa5: {  	s25 =	simm.s32 $0x1B8E;
	s24 =	sld [smem:$0x3FFE];
	[sflag:s23] =	ssyncadd.s32 $0xFFFFFFFF  }
0xa6: {  	s26 =	simm.s32 $execute0_lowered;
	[smem:$0x3FD2] =	sst s25  }
0xa7: {  	s6 =	sshll.u32 s26, $0x1;
	_ =	strace $0x80000046;
	[dreg:$0x1] =	wrdreg $0xFFFFFFFF  }
0xa8: {  	s28 =	simm.s32 $_size_execute0_lowered;
	s4 =	sadd.s32 s4, s6;
	[dreg:$0x0] =	wrdreg $0x0  }
0xa9: {  	s6 =	sshll.u32 s28, $0x1;
	[dreg:$0x2] =	wrdreg s4  }
0xaa: {  	[dreg:$0x3] =	wrdreg s6  }
0xab: {  	[dreg:$0x4] =	wrdreg $0xC0  }
0xac: {  	_ =	task [dreg:s8], $0x5FFFF  }
0xad: {  	[dreg:$0x1] =	wrdreg $0xFFFFFFFF  }
0xae: {  	[dreg:$0x0] =	wrdreg $0x60  }
0xaf: {  	[dreg:$0x2] =	wrdreg s2  }
0xb0: {  	[dreg:$0x3] =	wrdreg s24  }
0xb1: {  	[dreg:$0x4] =	wrdreg s18  }
0xb2: {  	[dreg:$0x5] =	wrdreg $0x9  }
0xb3: {  	_ =	task.clear_ibuf [dreg:s8], $0x6FFFF;
	_ =	strace $0x90000046  }
0xb4: {  	s29 =	simm.s32 $0x9;
	_ =	strace $0x80000048  }
0xb5: {  	_ =	swait.ge [sflag:s29], $0x1  }
0xb6: {  	[sflag:s29] =	ssyncadd.s32 $0xFFFFFFFF  }
0xb7: {  	_ =	strace $0x90000048  }
0xb8: {  	_ =	sfence  }
0xb9: {  	s30 =	sld [smem:$0x0];
	_ =	sdelay $0x2  }
0xba: {  	s31 =	sshll.u32 s1, $0xD;
	s1 =	sshrl.u32 s1, $0x2  }
0xbb: {  	s3 =	sand.u32 $0x4000, s31;
	s1 =	sadd.s32 s1, s30  }
0xbc: {  	s0 =	sor.u32 s3, s0;
	s1 =	sshll.u32 s1, $0x11  }
0xbd: {  	s0 =	sor.u32 s1, s0  }
0xbe: {  	s0 =	sadd.s32 $0x8F2B, s0  }
0xbf: {  	[sflag:s0] =	ssyncadd.remote.s32 $0x1  }
0xc0: {  	_ =	sfence.sel $0xFFFF  }
0xc1: {  	[dreg:$0x0] =	wrdreg $0xFFFFFFFF;
	(pc) =	sbr.abs _section_cstart, $3  }
0xc2: {  	[dreg:$0x1] =	wrdreg $0xFFFFFFFF  }
0xc3: {  	_ =	task.clear_ibuf [dreg:s8], $0x2FFFF;
	_ =	strace $0x9FFFFFFF  }
0xc4: {  	(tm) =	ssettm $0x7FFFFFFF  }
0xc5: {  	_ =	shalt  }
tec
execute0_lowered:
.L_overlay_start_1:
0x0: {  	(tag) =	ssettag $0x1  }
0x1: {  	s1 =	rddreg [dreg:$0x0]  }
0x2: {  	s0 =	rddreg [dreg:$0x1]  }
0x3: {  	s2 =	rddreg [dreg:$0x2];
	s3 =	simm.s32 $0x0;
	s4 =	srdreg.scid  }
0x4: {  	s9 =	stileid.u32;
	s12 =	simm.s32 $0x180;
	s29 =	simm.s32 $0x8180  }
0x5: {  	s30 =	simm.s32 $0x8980;
	s31 =	simm.s32 $0x9180;
	s10 =	simm.s32 $0xB980  }
0x6: {  	s11 =	simm.s32 $0xC180;
	s13 =	simm.s32 $0xC980;
	s14 =	simm.s32 $0xD180  }
0x7: {  	s15 =	simm.s32 $0xD980;
	s19 =	simm.s32 $0xF980;
	s20 =	simm.s32 $0x1  }
0x8: {  	s21 =	simm.s32 $0x3;
	s22 =	simm.s32 $0x2;
	s23 =	simm.s32 $0x4  }
0x9: {  	[smem:$0x7FF] =	sst s3;
	s5 =	sand.u32 $0x1, s4;
	s24 =	sshll.u32 s9, $0x9  }
0xa: {  	s0 =	sadd.s32 $0x400, s0;
	s9 =	sshll.u32 s9, $0x10;
	s6 =	ssub.s32 $0x2, s5  }
0xb: {  	s7 =	sshll.u32 s5, $0x8;
	_ =	strace $0x80000047;
	[dreg:$0x4] =	wrdreg s0  }
0xc: {  	s26 =	sadd.s32 s9, s2;
	s28 =	sshll.u32 s5, $0xF;
	s2 =	simm.s32 $0xA180  }
0xd: {  	s5 =	simm.s32 $0xA980;
	s9 =	simm.s32 $0xB180;
	s8 =	sshrl.u32 s6, $0x1  }
0xe: {  	s4 =	sor.u32 s7, s24;
	s7 =	sadd.s32 $0x200, s1;
	s25 =	ssub.s32 s6, s8  }
.Ltmp0:
0xf: {  	s16 =	sor.u32 $0x10, s4;
	s6 =	sadd.s32 $0x100, s1;
	(pc) =	sbr.rel .LBB2_1-.Ltmp0, $4  }
0x10: {  	v0 =	vlaneseq.u32;
	s8 =	sadd.s32 $0x300, s1;
	s17 =	sor.u32 $0x20, s4;
	s18 =	sor.u32 $0x30, s4  }
0x11: {  	vm0 =	vmmov $0xffff;
	s0 =	smax.u32 s25, $0x1;
	v1 =	vor.u32 s16, v0;
	v2 =	vor.u32 s17, v0;
	s16 =	simm.s32 $0xE180;
	s17 =	simm.s32 $0xE980  }
0x12: {  	v5 =	vand.u32 $0x7, v0;
	v6 =	vshrl.u32 v0, $0x3;
	v3 =	vor.u32 s18, v0;
	s18 =	simm.s32 $0xF180;
	[dreg:$0x5] =	wrdreg s0;
	s0 =	sadd.s32 s28, s26  }
0x13: {  	v7 =	vor.u32 $0x8, v0;
	v6 =	vmul.u32 $0x8, v6;
	v4 =	vor.u32 s4, v0;
	s25 =	simm.s32 $0x0;
	[dreg:$0x6] =	wrdreg s0;
	s0 =	simm.s32 $0x9980  }
.LBB2_6:
0x14: {  	s25 =	rddreg [dreg:$0x7]  }
0x15: {  	s24 =	rddreg [dreg:$0x5];
	s25 =	sadd.s32 $0x1, s25  }
0x16: {  	p0 =	sne.s32 s25, s24  }
.Ltmp1:
0x17: {  	_ = 	snop;
	(pc) =	sbr.rel @!p0 .LBB2_7-.Ltmp1, $1  }
0x18: {  	_ =	sdelay $0x3  }
.LBB2_1:
0x19: {  	[dreg:$0x7] =	wrdreg s25  }
0x1a: {  	s24 =	rddreg [dreg:$0x4];
	s28 =	simm.s32 $0x5  }
0x1b: {  	[tilespmem:s3], [sflag:$0x5] =	stream.linear.gather [hbm4b:s24+s3], $0x80, $0x38;
	[tilespmem:$0x10180] =	vst v63  }
0x1c: {  	_ =	swait.ge [sflag:s28], $0x80  }
0x1d: {  	[sflag:s28] =	ssyncset.done $0x0  }
0x1e: {  	[sflag:s28] =	ssyncadd.s32 $0xFFFFFF80  }
0x1f: {  	v8 =	vld [tilespmem:$0x0];
	_ =	sdelay $0x4  }
0x20: {  	vm1 =	vlt.s32 v4, v8  }
0x21: {  	v9 =	vsel vm1, v4, v8  }
0x22: {  	v10 =	vshll.u32 v9, $0x3  }
0x23: {  	v11 =	vand.u32 $0x7, v9;
	v10 =	vand.u32 $0xFFFFFFC0, v10  }
0x24: {  	v10 =	vor.u32 v11, v10  }
0x25: {  	v11 =	vperm.xlane v10, v5;
	_ =	sdelay $0x1  }
0x26: {  	v11 =	vadd.s32 v6, v11;
	_ =	sdelay $0x1  }
0x27: {  	vm1 =	vlt.s32 v1, v8  }
0x28: {  	[tilespmem:$0x80] =	vst v9;
	v9 =	vsel vm1, v1, v8  }
0x29: {  	[tilespmem:$0x90] =	vst v9  }
0x2a: {  	[tilespmem:s12], [sflag:$0x1] =	stream.indirect_vreg.gather [hbm4b:s1+s3], $0x80, v11, vm0, $0xb8;
	[tilespmem:$0x10180] =	vst v63  }
0x2b: {  	s25 =	simm.s32 $0x980;
	v9 =	vperm.xlane v10, v7  }
0x2c: {  	[tilespmem:s25], [sflag:$0x1] =	stream.indirect_vreg.gather [hbm4b:s6+s3], $0x80, v11, vm0, $0xb8;
	[tilespmem:$0x10180] =	vst v63  }
0x2d: {  	s26 =	simm.s32 $0x1180;
	v9 =	vadd.s32 v6, v9  }
0x2e: {  	[tilespmem:s26], [sflag:$0x1] =	stream.indirect_vreg.gather [hbm4b:s7+s3], $0x80, v11, vm0, $0xb8;
	[tilespmem:$0x10180] =	vst v63  }
0x2f: {  	s28 =	simm.s32 $0x1980  }
0x30: {  	[tilespmem:s28], [sflag:$0x1] =	stream.indirect_vreg.gather [hbm4b:s8+s3], $0x80, v11, vm0, $0xb8;
	[tilespmem:$0x10180] =	vst v63  }
0x31: {  	s25 =	simm.s32 $0x2180  }
0x32: {  	[tilespmem:s25], [sflag:$0x1] =	stream.indirect_vreg.gather [hbm4b:s1+s3], $0x80, v9, vm0, $0xb8;
	[tilespmem:$0x10180] =	vst v63  }
0x33: {  	s26 =	simm.s32 $0x2980  }
0x34: {  	[tilespmem:s26], [sflag:$0x1] =	stream.indirect_vreg.gather [hbm4b:s6+s3], $0x80, v9, vm0, $0xb8;
	[tilespmem:$0x10180] =	vst v63  }
0x35: {  	s28 =	simm.s32 $0x3180  }
0x36: {  	[tilespmem:s28], [sflag:$0x1] =	stream.indirect_vreg.gather [hbm4b:s7+s3], $0x80, v9, vm0, $0xb8;
	[tilespmem:$0x10180] =	vst v63  }
0x37: {  	s25 =	simm.s32 $0x3980  }
0x38: {  	[tilespmem:s25], [sflag:$0x1] =	stream.indirect_vreg.gather [hbm4b:s8+s3], $0x80, v9, vm0, $0xb8;
	[tilespmem:$0x10180] =	vst v63  }
0x39: {  	v9 =	vld [tilespmem:$0x90];
	_ =	sdelay $0x4  }
0x3a: {  	v10 =	vshll.u32 v9, $0x3  }
0x3b: {  	v9 =	vand.u32 $0x7, v9;
	v10 =	vand.u32 $0xFFFFFFC0, v10  }
0x3c: {  	v9 =	vor.u32 v9, v10  }
0x3d: {  	v10 =	vperm.xlane v9, v5;
	_ =	sdelay $0x1  }
0x3e: {  	v10 =	vadd.s32 v6, v10;
	_ =	sdelay $0x3  }
0x3f: {  	s26 =	simm.s32 $0x4180  }
0x40: {  	[tilespmem:s26], [sflag:$0x1] =	stream.indirect_vreg.gather [hbm4b:s1+s3], $0x80, v10, vm0, $0xb8;
	[tilespmem:$0x10180] =	vst v63  }
0x41: {  	s28 =	simm.s32 $0x4980;
	v9 =	vperm.xlane v9, v7  }
0x42: {  	[tilespmem:s28], [sflag:$0x1] =	stream.indirect_vreg.gather [hbm4b:s6+s3], $0x80, v10, vm0, $0xb8;
	[tilespmem:$0x10180] =	vst v63  }
0x43: {  	s25 =	simm.s32 $0x5180;
	v9 =	vadd.s32 v6, v9  }
0x44: {  	[tilespmem:s25], [sflag:$0x1] =	stream.indirect_vreg.gather [hbm4b:s7+s3], $0x80, v10, vm0, $0xb8;
	[tilespmem:$0x10180] =	vst v63  }
0x45: {  	vm1 =	vlt.s32 v2, v8;
	s26 =	simm.s32 $0x5980  }
0x46: {  	[tilespmem:s26], [sflag:$0x1] =	stream.indirect_vreg.gather [hbm4b:s8+s3], $0x80, v10, vm0, $0xb8;
	v10 =	vsel vm1, v2, v8;
	[tilespmem:$0x10180] =	vst v63  }
0x47: {  	s28 =	simm.s32 $0x6180;
	v11 =	vshll.u32 v10, $0x3  }
0x48: {  	v12 =	vand.u32 $0x7, v10;
	[tilespmem:s28], [sflag:$0x1] =	stream.indirect_vreg.gather [hbm4b:s1+s3], $0x80, v9, vm0, $0xb8;
	v11 =	vand.u32 $0xFFFFFFC0, v11;
	[tilespmem:$0x10180] =	vst v63  }
0x49: {  	s25 =	simm.s32 $0x6980;
	v11 =	vor.u32 v12, v11  }
0x4a: {  	[tilespmem:s25], [sflag:$0x1] =	stream.indirect_vreg.gather [hbm4b:s6+s3], $0x80, v9, vm0, $0xb8;
	v12 =	vperm.xlane v11, v5;
	[tilespmem:$0x10180] =	vst v63  }
0x4b: {  	s26 =	simm.s32 $0x7180  }
0x4c: {  	[tilespmem:s26], [sflag:$0x1] =	stream.indirect_vreg.gather [hbm4b:s7+s3], $0x80, v9, vm0, $0xb8;
	v12 =	vadd.s32 v6, v12;
	[tilespmem:$0x10180] =	vst v63  }
0x4d: {  	s28 =	simm.s32 $0x7980  }
0x4e: {  	vm1 =	vlt.s32 v3, v8;
	[tilespmem:s28], [sflag:$0x1] =	stream.indirect_vreg.gather [hbm4b:s8+s3], $0x80, v9, vm0, $0xb8;
	[tilespmem:$0x10180] =	vst v63  }
0x4f: {  	v9 =	vsel vm1, v3, v8;
	[tilespmem:$0x100] =	vst v10  }
0x50: {  	[tilespmem:$0x110] =	vst v9  }
0x51: {  	[tilespmem:s29], [sflag:$0x2] =	stream.indirect_vreg.gather [hbm4b:s1+s3], $0x80, v12, vm0, $0xb8;
	[tilespmem:$0x10180] =	vst v63  }
0x52: {  	v9 =	vperm.xlane v11, v7  }
0x53: {  	[tilespmem:s30], [sflag:$0x2] =	stream.indirect_vreg.gather [hbm4b:s6+s3], $0x80, v12, vm0, $0xb8;
	[tilespmem:$0x10180] =	vst v63  }
0x54: {  	v9 =	vadd.s32 v6, v9  }
0x55: {  	[tilespmem:s31], [sflag:$0x2] =	stream.indirect_vreg.gather [hbm4b:s7+s3], $0x80, v12, vm0, $0xb8;
	[tilespmem:$0x10180] =	vst v63  }
0x56: {  	_ = 	snop  }
0x57: {  	[tilespmem:s0], [sflag:$0x2] =	stream.indirect_vreg.gather [hbm4b:s8+s3], $0x80, v12, vm0, $0xb8;
	[tilespmem:$0x10180] =	vst v63  }
0x58: {  	_ = 	snop  }
0x59: {  	[tilespmem:s2], [sflag:$0x2] =	stream.indirect_vreg.gather [hbm4b:s1+s3], $0x80, v9, vm0, $0xb8;
	[tilespmem:$0x10180] =	vst v63  }
0x5a: {  	_ = 	snop  }
0x5b: {  	[tilespmem:s5], [sflag:$0x2] =	stream.indirect_vreg.gather [hbm4b:s6+s3], $0x80, v9, vm0, $0xb8;
	[tilespmem:$0x10180] =	vst v63  }
0x5c: {  	_ = 	snop  }
0x5d: {  	[tilespmem:s9], [sflag:$0x2] =	stream.indirect_vreg.gather [hbm4b:s7+s3], $0x80, v9, vm0, $0xb8;
	[tilespmem:$0x10180] =	vst v63  }
0x5e: {  	_ = 	snop  }
0x5f: {  	[tilespmem:s10], [sflag:$0x2] =	stream.indirect_vreg.gather [hbm4b:s8+s3], $0x80, v9, vm0, $0xb8;
	[tilespmem:$0x10180] =	vst v63  }
0x60: {  	v9 =	vld [tilespmem:$0x110];
	_ =	sdelay $0x4  }
0x61: {  	v10 =	vshll.u32 v9, $0x3  }
0x62: {  	v9 =	vand.u32 $0x7, v9;
	v10 =	vand.u32 $0xFFFFFFC0, v10  }
0x63: {  	v9 =	vor.u32 v9, v10  }
0x64: {  	v10 =	vperm.xlane v9, v5;
	_ =	sdelay $0x1  }
0x65: {  	v10 =	vadd.s32 v6, v10;
	_ =	sdelay $0x4  }
0x66: {  	[tilespmem:s11], [sflag:$0x2] =	stream.indirect_vreg.gather [hbm4b:s1+s3], $0x80, v10, vm0, $0xb8;
	[tilespmem:$0x10180] =	vst v63  }
0x67: {  	v9 =	vperm.xlane v9, v7  }
0x68: {  	[tilespmem:s13], [sflag:$0x2] =	stream.indirect_vreg.gather [hbm4b:s6+s3], $0x80, v10, vm0, $0xb8;
	[tilespmem:$0x10180] =	vst v63  }
0x69: {  	v9 =	vadd.s32 v6, v9  }
0x6a: {  	[tilespmem:s14], [sflag:$0x2] =	stream.indirect_vreg.gather [hbm4b:s7+s3], $0x80, v10, vm0, $0xb8;
	[tilespmem:$0x10180] =	vst v63  }
0x6b: {  	_ = 	snop  }
0x6c: {  	[tilespmem:s15], [sflag:$0x2] =	stream.indirect_vreg.gather [hbm4b:s8+s3], $0x80, v10, vm0, $0xb8;
	[tilespmem:$0x10180] =	vst v63  }
0x6d: {  	_ = 	snop  }
0x6e: {  	[tilespmem:s16], [sflag:$0x2] =	stream.indirect_vreg.gather [hbm4b:s1+s3], $0x80, v9, vm0, $0xb8;
	[tilespmem:$0x10180] =	vst v63  }
0x6f: {  	_ = 	snop  }
0x70: {  	[tilespmem:s17], [sflag:$0x2] =	stream.indirect_vreg.gather [hbm4b:s6+s3], $0x80, v9, vm0, $0xb8;
	[tilespmem:$0x10180] =	vst v63  }
0x71: {  	_ = 	snop  }
0x72: {  	[tilespmem:s18], [sflag:$0x2] =	stream.indirect_vreg.gather [hbm4b:s7+s3], $0x80, v9, vm0, $0xb8;
	[tilespmem:$0x10180] =	vst v63  }
0x73: {  	s24 =	simm.s32 $0x0;
	s25 =	rddreg [dreg:$0x6]  }
0x74: {  	[tilespmem:s19], [sflag:$0x2] =	stream.indirect_vreg.gather [hbm4b:s8+s3], $0x80, v9, vm0, $0xb8;
	[tilespmem:$0x10180] =	vst v63  }
.LBB2_2:
0x75: {  	_ =	swait.ge [sflag:s20], $0x8000  }
0x76: {  	p0 =	seq.s32 s24, $0xC0;
	[sflag:s20] =	ssyncset.done $0x0  }
.Ltmp2:
0x77: {  	[sflag:s20] =	ssyncadd.s32 $0xFFFF8000;
	(pc) =	sbr.rel @p0 .LBB2_4-.Ltmp2, $4  }
0x78: {  	[hbm4b:s25+s3] =	stream.linear.scatter [tilespmem:s12], [sflag:$0x3], $0x8000, $0x38;
	[tilespmem:$0x10180] =	vst v63  }
0x79: {  	_ =	swait.ge [sflag:s21], $0x8000  }
0x7a: {  	[sflag:s21] =	ssyncset.done $0x0  }
0x7b: {  	[sflag:s21] =	ssyncadd.s32 $0xFFFF8000  }
0x7c: {  	s26 =	sadd.s32 s24, s4  }
0x7d: {  	s28 =	sadd.s32 $0x40, s26  }
0x7e: {  	v9 =	vor.u32 s28, v0  }
0x7f: {  	vm1 =	vlt.s32 v9, v8  }
0x80: {  	v9 =	vsel vm1, v9, v8  }
0x81: {  	v10 =	vshll.u32 v9, $0x3  }
0x82: {  	v11 =	vand.u32 $0x7, v9;
	v10 =	vand.u32 $0xFFFFFFC0, v10  }
0x83: {  	v10 =	vor.u32 v11, v10  }
0x84: {  	v11 =	vperm.xlane v10, v5;
	_ =	sdelay $0x1  }
0x85: {  	s26 =	sadd.s32 $0x50, s26;
	v11 =	vadd.s32 v6, v11  }
0x86: {  	v12 =	vor.u32 s26, v0  }
0x87: {  	vm1 =	vlt.s32 v12, v8  }
0x88: {  	[tilespmem:$0x80] =	vst v9;
	v9 =	vsel vm1, v12, v8  }
0x89: {  	[tilespmem:$0x90] =	vst v9  }
0x8a: {  	[tilespmem:s12], [sflag:$0x1] =	stream.indirect_vreg.gather [hbm4b:s1+s3], $0x80, v11, vm0, $0xb8;
	[tilespmem:$0x10180] =	vst v63  }
0x8b: {  	s28 =	simm.s32 $0x980;
	v9 =	vperm.xlane v10, v7  }
0x8c: {  	[tilespmem:s28], [sflag:$0x1] =	stream.indirect_vreg.gather [hbm4b:s6+s3], $0x80, v11, vm0, $0xb8;
	[tilespmem:$0x10180] =	vst v63  }
0x8d: {  	v9 =	vadd.s32 v6, v9;
	s28 =	simm.s32 $0x1180  }
0x8e: {  	[tilespmem:s28], [sflag:$0x1] =	stream.indirect_vreg.gather [hbm4b:s7+s3], $0x80, v11, vm0, $0xb8;
	[tilespmem:$0x10180] =	vst v63  }
0x8f: {  	s28 =	simm.s32 $0x1980  }
0x90: {  	[tilespmem:s28], [sflag:$0x1] =	stream.indirect_vreg.gather [hbm4b:s8+s3], $0x80, v11, vm0, $0xb8;
	[tilespmem:$0x10180] =	vst v63  }
0x91: {  	s28 =	simm.s32 $0x2180  }
0x92: {  	[tilespmem:s28], [sflag:$0x1] =	stream.indirect_vreg.gather [hbm4b:s1+s3], $0x80, v9, vm0, $0xb8;
	[tilespmem:$0x10180] =	vst v63  }
0x93: {  	s28 =	simm.s32 $0x2980  }
0x94: {  	[tilespmem:s28], [sflag:$0x1] =	stream.indirect_vreg.gather [hbm4b:s6+s3], $0x80, v9, vm0, $0xb8;
	[tilespmem:$0x10180] =	vst v63  }
0x95: {  	s28 =	simm.s32 $0x3180  }
0x96: {  	[tilespmem:s28], [sflag:$0x1] =	stream.indirect_vreg.gather [hbm4b:s7+s3], $0x80, v9, vm0, $0xb8;
	[tilespmem:$0x10180] =	vst v63  }
0x97: {  	s28 =	simm.s32 $0x3980  }
0x98: {  	[tilespmem:s28], [sflag:$0x1] =	stream.indirect_vreg.gather [hbm4b:s8+s3], $0x80, v9, vm0, $0xb8;
	[tilespmem:$0x10180] =	vst v63  }
0x99: {  	v9 =	vld [tilespmem:$0x90];
	_ =	sdelay $0x4  }
0x9a: {  	v10 =	vshll.u32 v9, $0x3  }
0x9b: {  	v9 =	vand.u32 $0x7, v9;
	v10 =	vand.u32 $0xFFFFFFC0, v10  }
0x9c: {  	v9 =	vor.u32 v9, v10  }
0x9d: {  	v10 =	vperm.xlane v9, v5;
	_ =	sdelay $0x1  }
0x9e: {  	v10 =	vadd.s32 v6, v10;
	_ =	sdelay $0x3  }
0x9f: {  	s28 =	simm.s32 $0x4180  }
0xa0: {  	[tilespmem:s28], [sflag:$0x1] =	stream.indirect_vreg.gather [hbm4b:s1+s3], $0x80, v10, vm0, $0xb8;
	[tilespmem:$0x10180] =	vst v63  }
0xa1: {  	v9 =	vperm.xlane v9, v7;
	s28 =	simm.s32 $0x4980  }
0xa2: {  	[tilespmem:s28], [sflag:$0x1] =	stream.indirect_vreg.gather [hbm4b:s6+s3], $0x80, v10, vm0, $0xb8;
	[tilespmem:$0x10180] =	vst v63  }
0xa3: {  	v9 =	vadd.s32 v6, v9;
	s28 =	simm.s32 $0x5180  }
0xa4: {  	[tilespmem:s28], [sflag:$0x1] =	stream.indirect_vreg.gather [hbm4b:s7+s3], $0x80, v10, vm0, $0xb8;
	[tilespmem:$0x10180] =	vst v63  }
0xa5: {  	s28 =	simm.s32 $0x5980  }
0xa6: {  	[tilespmem:s28], [sflag:$0x1] =	stream.indirect_vreg.gather [hbm4b:s8+s3], $0x80, v10, vm0, $0xb8;
	[tilespmem:$0x10180] =	vst v63  }
0xa7: {  	s28 =	simm.s32 $0x6180  }
0xa8: {  	[tilespmem:s28], [sflag:$0x1] =	stream.indirect_vreg.gather [hbm4b:s1+s3], $0x80, v9, vm0, $0xb8;
	[tilespmem:$0x10180] =	vst v63  }
0xa9: {  	s28 =	simm.s32 $0x6980  }
0xaa: {  	[tilespmem:s28], [sflag:$0x1] =	stream.indirect_vreg.gather [hbm4b:s6+s3], $0x80, v9, vm0, $0xb8;
	[tilespmem:$0x10180] =	vst v63  }
0xab: {  	s28 =	simm.s32 $0x7180  }
0xac: {  	[tilespmem:s28], [sflag:$0x1] =	stream.indirect_vreg.gather [hbm4b:s7+s3], $0x80, v9, vm0, $0xb8;
	[tilespmem:$0x10180] =	vst v63  }
0xad: {  	s28 =	simm.s32 $0x7980  }
0xae: {  	[tilespmem:s28], [sflag:$0x1] =	stream.indirect_vreg.gather [hbm4b:s8+s3], $0x80, v9, vm0, $0xb8;
	[tilespmem:$0x10180] =	vst v63  }
.LBB2_4:
0xaf: {  	_ =	swait.ge [sflag:s22], $0x8000  }
0xb0: {  	[sflag:s22] =	ssyncset.done $0x0  }
.Ltmp3:
0xb1: {  	s26 =	sadd.s32 $0x1000, s25;
	[sflag:s22] =	ssyncadd.s32 $0xFFFF8000;
	(pc) =	sbr.rel @p0 .LBB2_6-.Ltmp3, $4  }
0xb2: {  	[hbm4b:s26+s3] =	stream.linear.scatter [tilespmem:s29], [sflag:$0x4], $0x8000, $0x38;
	[tilespmem:$0x10180] =	vst v63  }
0xb3: {  	_ =	swait.ge [sflag:s23], $0x8000  }
0xb4: {  	[sflag:s23] =	ssyncset.done $0x0  }
0xb5: {  	[sflag:s23] =	ssyncadd.s32 $0xFFFF8000  }
0xb6: {  	s26 =	sadd.s32 s24, s4  }
0xb7: {  	s28 =	sadd.s32 $0x60, s26  }
0xb8: {  	v9 =	vor.u32 s28, v0  }
0xb9: {  	vm1 =	vlt.s32 v9, v8  }
0xba: {  	v9 =	vsel vm1, v9, v8  }
0xbb: {  	v10 =	vshll.u32 v9, $0x3  }
0xbc: {  	v11 =	vand.u32 $0x7, v9;
	v10 =	vand.u32 $0xFFFFFFC0, v10  }
0xbd: {  	v10 =	vor.u32 v11, v10  }
0xbe: {  	v11 =	vperm.xlane v10, v5;
	_ =	sdelay $0x1  }
0xbf: {  	s26 =	sadd.s32 $0x70, s26;
	v11 =	vadd.s32 v6, v11  }
0xc0: {  	v12 =	vor.u32 s26, v0  }
0xc1: {  	vm1 =	vlt.s32 v12, v8  }
0xc2: {  	[tilespmem:$0x100] =	vst v9;
	v9 =	vsel vm1, v12, v8  }
0xc3: {  	[tilespmem:$0x110] =	vst v9  }
0xc4: {  	[tilespmem:s29], [sflag:$0x2] =	stream.indirect_vreg.gather [hbm4b:s1+s3], $0x80, v11, vm0, $0xb8;
	[tilespmem:$0x10180] =	vst v63  }
0xc5: {  	v9 =	vperm.xlane v10, v7  }
0xc6: {  	[tilespmem:s30], [sflag:$0x2] =	stream.indirect_vreg.gather [hbm4b:s6+s3], $0x80, v11, vm0, $0xb8;
	[tilespmem:$0x10180] =	vst v63  }
0xc7: {  	v9 =	vadd.s32 v6, v9  }
0xc8: {  	[tilespmem:s31], [sflag:$0x2] =	stream.indirect_vreg.gather [hbm4b:s7+s3], $0x80, v11, vm0, $0xb8;
	[tilespmem:$0x10180] =	vst v63  }
0xc9: {  	_ = 	snop  }
0xca: {  	[tilespmem:s0], [sflag:$0x2] =	stream.indirect_vreg.gather [hbm4b:s8+s3], $0x80, v11, vm0, $0xb8;
	[tilespmem:$0x10180] =	vst v63  }
0xcb: {  	_ = 	snop  }
0xcc: {  	[tilespmem:s2], [sflag:$0x2] =	stream.indirect_vreg.gather [hbm4b:s1+s3], $0x80, v9, vm0, $0xb8;
	[tilespmem:$0x10180] =	vst v63  }
0xcd: {  	_ = 	snop  }
0xce: {  	[tilespmem:s5], [sflag:$0x2] =	stream.indirect_vreg.gather [hbm4b:s6+s3], $0x80, v9, vm0, $0xb8;
	[tilespmem:$0x10180] =	vst v63  }
0xcf: {  	_ = 	snop  }
0xd0: {  	[tilespmem:s9], [sflag:$0x2] =	stream.indirect_vreg.gather [hbm4b:s7+s3], $0x80, v9, vm0, $0xb8;
	[tilespmem:$0x10180] =	vst v63  }
0xd1: {  	_ = 	snop  }
0xd2: {  	[tilespmem:s10], [sflag:$0x2] =	stream.indirect_vreg.gather [hbm4b:s8+s3], $0x80, v9, vm0, $0xb8;
	[tilespmem:$0x10180] =	vst v63  }
0xd3: {  	v9 =	vld [tilespmem:$0x110];
	_ =	sdelay $0x4  }
0xd4: {  	v10 =	vshll.u32 v9, $0x3  }
0xd5: {  	v9 =	vand.u32 $0x7, v9;
	v10 =	vand.u32 $0xFFFFFFC0, v10  }
0xd6: {  	v9 =	vor.u32 v9, v10  }
0xd7: {  	v10 =	vperm.xlane v9, v5;
	_ =	sdelay $0x1  }
0xd8: {  	v10 =	vadd.s32 v6, v10;
	_ =	sdelay $0x4  }
0xd9: {  	[tilespmem:s11], [sflag:$0x2] =	stream.indirect_vreg.gather [hbm4b:s1+s3], $0x80, v10, vm0, $0xb8;
	[tilespmem:$0x10180] =	vst v63  }
0xda: {  	v9 =	vperm.xlane v9, v7  }
0xdb: {  	[tilespmem:s13], [sflag:$0x2] =	stream.indirect_vreg.gather [hbm4b:s6+s3], $0x80, v10, vm0, $0xb8;
	[tilespmem:$0x10180] =	vst v63  }
0xdc: {  	v9 =	vadd.s32 v6, v9  }
0xdd: {  	[tilespmem:s14], [sflag:$0x2] =	stream.indirect_vreg.gather [hbm4b:s7+s3], $0x80, v10, vm0, $0xb8;
	[tilespmem:$0x10180] =	vst v63  }
0xde: {  	_ = 	snop  }
0xdf: {  	[tilespmem:s15], [sflag:$0x2] =	stream.indirect_vreg.gather [hbm4b:s8+s3], $0x80, v10, vm0, $0xb8;
	[tilespmem:$0x10180] =	vst v63  }
0xe0: {  	_ = 	snop  }
0xe1: {  	[tilespmem:s16], [sflag:$0x2] =	stream.indirect_vreg.gather [hbm4b:s1+s3], $0x80, v9, vm0, $0xb8;
	[tilespmem:$0x10180] =	vst v63  }
0xe2: {  	_ = 	snop  }
0xe3: {  	[tilespmem:s17], [sflag:$0x2] =	stream.indirect_vreg.gather [hbm4b:s6+s3], $0x80, v9, vm0, $0xb8;
	[tilespmem:$0x10180] =	vst v63  }
.Ltmp4:
0xe4: {  	_ = 	snop;
	(pc) =	sbr.rel .LBB2_2-.Ltmp4, $4  }
0xe5: {  	_ = 	snop  }
0xe6: {  	[tilespmem:s18], [sflag:$0x2] =	stream.indirect_vreg.gather [hbm4b:s7+s3], $0x80, v9, vm0, $0xb8;
	[tilespmem:$0x10180] =	vst v63  }
0xe7: {  	s25 =	sadd.s32 $0x2000, s25;
	s24 =	sadd.s32 $0x40, s24  }
0xe8: {  	[tilespmem:s19], [sflag:$0x2] =	stream.indirect_vreg.gather [hbm4b:s8+s3], $0x80, v9, vm0, $0xb8;
	[tilespmem:$0x10180] =	vst v63  }
.LBB2_7:
0xe9: {  	_ =	sfence.sel $0x180000  }
0xea: {  	[bflag:$0x0] =	sbarrier.arrive $0xFFFF  }
0xeb: {  	_ =	strace $0x90000047  }
0xec: {  	s0 =	stileid.u32;
	[bflag:$0x2] =	sbarrier.arrive $0xFFFF  }
0xed: {  	p0 =	sne.s32 s0, $0x0;
	s0 =	rddreg [dreg:$0x3]  }
0xee: {  	s0 =	sadd.s32 @!p0 $0x100000, s0  }
0xef: {  	[sflag:s0] =	ssyncadd.tile.s32 @!p0 $0x1;
	_ =	shalt  }
.Lfunc_end2:
_tile_overlayer_lowered:
.L_overlay_start_2:
0xf0: {  	(tag) =	ssettag $0x2  }
0xf1: {  	s0 =	rddreg [dreg:$0x0];
	s2 =	stileid.u32  }
0xf2: {  	s1 =	rddreg [dreg:$0x1];
	p0 =	sne.s32 s2, $0x0  }
0xf3: {  	s3 =	rddreg [dreg:$0x2];
	[bflag:$0x3] =	sbarrier.arrive $0xFFFF;
	s2 =	simm.s32 @!p0 $0x1C05  }
0xf4: {  	[timem:s3], [sflag:s2] =	dma.local @!p0 [hbm:s0], s1  }
0xf5: {  	s0 =	simm.s32 @!p0 $0x5  }
0xf6: {  	_ =	swait.ge @!p0 [sflag:s0], s1  }
0xf7: {  	s1 =	ssub.s32 @!p0 $0x0, s1;
	[sflag:s0] =	ssyncset.done @!p0 $0x0  }
0xf8: {  	[sflag:s0] =	ssyncadd.s32 @!p0 s1  }
0xf9: {  	[bflag:$0x3] =	sbarrier.arrive $0xFFFF  }
0xfa: {  	_ =	shalt  }

</sc_bundles>
